<compile_context>
chip_gen: v7x
topology: tpu7x:2x2x1
jax: 0.10.2.dev20260603
libtpu: 0.0.44.dev20260713+nightly
codegen_flags: <defaults>
</compile_context>

<pallas_src>
import functools

import jax
import jax.numpy as jnp
from jax import lax
from jax.experimental import pallas as pl
from jax.experimental.pallas import tpu as pltpu
from jax.experimental.pallas import tpu_sc as plsc

H = 128
NREG = H // 16
EPS = 1e-12

NC = 2
NS = 16
NW = NC * NS

C = 128


def _rsqrt16(x):
  i = lax.bitcast_convert_type(x, jnp.int32)
  i = jnp.int32(0x5F3759DF) - lax.shift_right_arithmetic(i, 1)
  y = lax.bitcast_convert_type(i, jnp.float32)
  for _ in range(3):
    y = y * (1.5 - 0.5 * x * y * y)
  return y


def _sc_body(wi, ai, si, pi, yi, Ww, Ws, Wa, Wy, Wp, g, b, out,
             iw, ia, is_, ip, iy, rw, rs, ra, ry, rp, ro, gv, bv, sem,
             *, per_worker):
  cid = lax.axis_index("c")
  sid = lax.axis_index("s")
  wid = sid * NC + cid

  pltpu.sync_copy(g, gv)
  pltpu.sync_copy(b, bv)
  gregs = [gv[pl.ds(16 * j, 16)] for j in range(NREG)]
  bregs = [bv[pl.ds(16 * j, 16)] for j in range(NREG)]

  nchunks = per_worker // C

  def chunk_body(ci, carry):
    base = wid * per_worker + ci * C

    pltpu.sync_copy(wi.at[pl.ds(base, C)], iw)

    h0 = pltpu.async_copy(Ww.at[iw], rw, sem)
    h0.wait()

    @plsc.parallel_loop(0, 0, unroll=4)
    def tok(t):
      vs = [rw[t, pl.ds(16 * j, 16)] + rs[t, pl.ds(16 * j, 16)]
            + ra[t, pl.ds(16 * j, 16)] + ry[t, pl.ds(16 * j, 16)]
            + rp[t, pl.ds(16 * j, 16)] for j in range(NREG)]
      tot = vs[0] + vs[1]
      for j in range(2, NREG):
        tot = tot + vs[j]
      mean = jnp.broadcast_to(jnp.sum(tot) * (1.0 / H), (16,))
      ds = [v - mean for v in vs]
      q = ds[0] * ds[0] + ds[1] * ds[1]
      for j in range(2, NREG):
        q = q + ds[j] * ds[j]
      var = jnp.broadcast_to(jnp.sum(q) * (1.0 / H) + EPS, (16,))
      rstd = _rsqrt16(var)
      for j in range(NREG):
        ro[t, pl.ds(16 * j, 16)] = ds[j] * rstd * gregs[j] + bregs[j]

    pltpu.sync_copy(rw, out.at[pl.ds(base, C)])
    return carry

  lax.fori_loop(0, nchunks, chunk_body, 0)


def kernel(word_ids, age_ids, seg_ids, posi_ids, year_ids,
           W_word, W_seg, W_age, W_year, posi_table, ln_gamma, ln_beta):
  B, L = word_ids.shape
  N = B * L
  per_worker = N // NW

  wi = word_ids.reshape(N).astype(jnp.int32)
  ai = age_ids.reshape(N).astype(jnp.int32)
  si = seg_ids.reshape(N).astype(jnp.int32)
  pi = posi_ids.reshape(N).astype(jnp.int32)
  yi = year_ids.reshape(N).astype(jnp.int32)

  mesh = plsc.VectorSubcoreMesh(core_axis_name="c", subcore_axis_name="s",
                                num_cores=NC, num_subcores=NS)
  body = functools.partial(_sc_body, per_worker=per_worker)
  out = pl.kernel(
      body,
      out_type=jax.ShapeDtypeStruct((N, H), jnp.float32),
      mesh=mesh,
      compiler_params=pltpu.CompilerParams(needs_layout_passes=False),
      scratch_types=[
          pltpu.VMEM((C,), jnp.int32),
          pltpu.VMEM((C,), jnp.int32),
          pltpu.VMEM((C,), jnp.int32),
          pltpu.VMEM((C,), jnp.int32),
          pltpu.VMEM((C,), jnp.int32),
          pltpu.VMEM((C, H), jnp.float32),
          pltpu.VMEM((C, H), jnp.float32),
          pltpu.VMEM((C, H), jnp.float32),
          pltpu.VMEM((C, H), jnp.float32),
          pltpu.VMEM((C, H), jnp.float32),
          pltpu.VMEM((C, H), jnp.float32),
          pltpu.VMEM((H,), jnp.float32),
          pltpu.VMEM((H,), jnp.float32),
          pltpu.SemaphoreType.DMA,
      ],
  )(wi, ai, si, pi, yi, W_word, W_seg, W_age, W_year, posi_table,
    ln_gamma, ln_beta)
  return out.reshape(B, L, H)

# --- scband reference (transcript-rebuilt; emitter-appended) ---
"""Pipeline reference for scband-bert-embeddings-5463198400632 (READ-ONLY COPY).

The authoritative reference and input builder live on the scoring server;
editing this copy changes nothing except your own understanding.
"""

import jax, jax.numpy as jnp
import numpy as np

VOCAB = 100000
SEG = 2
AGE = 120
YEAR = 120
MAXPOS = 512
H = 128
B = 1024
L = 200
EPS = 1e-12


def _posi_table(maxpos, h):
    pos = np.arange(maxpos, dtype=np.float32)[:, None]
    idx = np.arange(h, dtype=np.float32)[None, :]
    ang = pos / np.power(10000.0, 2.0 * idx / h)
    even_mask = (np.arange(h)[None, :] % 2 == 0)
    tab = np.where(even_mask, np.sin(ang), np.cos(ang)).astype(np.float32)
    return jnp.asarray(tab)


def setup_inputs(seed: int = 0) -> dict:
    key = jax.random.key(seed)
    ks = jax.random.split(key, 10)
    word_ids = jax.random.randint(ks[0], (B, L), 0, VOCAB, dtype=jnp.int64 if jax.config.jax_enable_x64 else jnp.int32)
    age_ids = jax.random.randint(ks[1], (B, L), 0, AGE)
    seg_ids = jax.random.randint(ks[2], (B, L), 0, SEG)
    posi_ids = jax.random.randint(ks[3], (B, L), 0, MAXPOS)
    year_ids = jax.random.randint(ks[4], (B, L), 0, YEAR)
    W_word = jax.random.normal(ks[5], (VOCAB, H), dtype=jnp.float32) * 0.02
    W_seg = jax.random.normal(ks[6], (SEG, H), dtype=jnp.float32) * 0.02
    W_age = jax.random.normal(ks[7], (AGE, H), dtype=jnp.float32) * 0.02
    W_year = jax.random.normal(ks[8], (YEAR, H), dtype=jnp.float32) * 0.02
    posi_table = _posi_table(MAXPOS, H)
    ln_gamma = jnp.ones((H,), dtype=jnp.float32)
    ln_beta = jnp.zeros((H,), dtype=jnp.float32)
    return {
        'word_ids': word_ids, 'age_ids': age_ids, 'seg_ids': seg_ids,
        'posi_ids': posi_ids, 'year_ids': year_ids,
        'W_word': W_word, 'W_seg': W_seg, 'W_age': W_age, 'W_year': W_year,
        'posi_table': posi_table, 'ln_gamma': ln_gamma, 'ln_beta': ln_beta,
    }


def reference(word_ids, age_ids, seg_ids, posi_ids, year_ids,
              W_word, W_seg, W_age, W_year, posi_table, ln_gamma, ln_beta):
    word_embed = jnp.take(W_word, word_ids, axis=0)
    segment_embed = jnp.take(W_seg, seg_ids, axis=0)
    age_embed = jnp.take(W_age, age_ids, axis=0)
    posi_embed = jnp.take(posi_table, posi_ids, axis=0)
    year_embed = jnp.take(W_year, year_ids, axis=0)
    embeddings = word_embed + segment_embed + age_embed + posi_embed + year_embed
    mean = jnp.mean(embeddings, axis=-1, keepdims=True)
    var = jnp.mean((embeddings - mean) ** 2, axis=-1, keepdims=True)
    normed = (embeddings - mean) / jnp.sqrt(var + EPS)
    out = normed * ln_gamma + ln_beta
    # dropout is identity in eval mode
    return out

if __name__ == "__main__":
    import jax
    _d = setup_inputs()
    print(jax.jit(kernel)(*tuple(_d.values())))

</pallas_src>

<mosaic_0001>
#map = affine_map<(d0, d1) -> (0)>
#map1 = affine_map<(d0, d1) -> (0, 0)>
module attributes {stable_mosaic.version = 14 : i64} {
  func.func @_sc_body(%arg0: i32, %arg1: i32, %arg2: memref<204800xi32, #tpu.memory_space<hbm>>, %arg3: memref<204800xi32, #tpu.memory_space<hbm>>, %arg4: memref<204800xi32, #tpu.memory_space<hbm>>, %arg5: memref<204800xi32, #tpu.memory_space<hbm>>, %arg6: memref<204800xi32, #tpu.memory_space<hbm>>, %arg7: memref<100000x128xf32, #tpu.memory_space<hbm>>, %arg8: memref<2x128xf32, #tpu.memory_space<hbm>>, %arg9: memref<120x128xf32, #tpu.memory_space<hbm>>, %arg10: memref<120x128xf32, #tpu.memory_space<hbm>>, %arg11: memref<512x128xf32, #tpu.memory_space<hbm>>, %arg12: memref<128xf32, #tpu.memory_space<hbm>>, %arg13: memref<128xf32, #tpu.memory_space<hbm>>, %arg14: memref<204800x128xf32, #tpu.memory_space<hbm>>, %arg15: memref<128xi32, #tpu.memory_space<vmem>>, %arg16: memref<128xi32, #tpu.memory_space<vmem>>, %arg17: memref<128xi32, #tpu.memory_space<vmem>>, %arg18: memref<128xi32, #tpu.memory_space<vmem>>, %arg19: memref<128xi32, #tpu.memory_space<vmem>>, %arg20: memref<128x128xf32, #tpu.memory_space<vmem>>, %arg21: memref<128x128xf32, #tpu.memory_space<vmem>>, %arg22: memref<128x128xf32, #tpu.memory_space<vmem>>, %arg23: memref<128x128xf32, #tpu.memory_space<vmem>>, %arg24: memref<128x128xf32, #tpu.memory_space<vmem>>, %arg25: memref<128x128xf32, #tpu.memory_space<vmem>>, %arg26: memref<128xf32, #tpu.memory_space<vmem>>, %arg27: memref<128xf32, #tpu.memory_space<vmem>>, %arg28: memref<!tpu.dma_semaphore, #tpu.memory_space<semaphore_mem>>) attributes {dimension_semantics = [#tpu.dimension_semantics<core_parallel>, #tpu.dimension_semantics<subcore_parallel>], iteration_bounds = array<i64: 2, 16>, scalar_prefetch = 0 : i64, scratch_operands = 14 : i64, tpu.core_type = #tpu.core_type<sc_vector_subcore>, window_params = [{transform_indices = #map}, {transform_indices = #map}, {transform_indices = #map}, {transform_indices = #map}, {transform_indices = #map}, {transform_indices = #map1}, {transform_indices = #map1}, {transform_indices = #map1}, {transform_indices = #map1}, {transform_indices = #map1}, {transform_indices = #map}, {transform_indices = #map}, {transform_indices = #map1}]} {
    %mul3A = arith.constant 2 : i32
    %mul3A_0 = arith.muli %arg1, %mul3A : i32
    %add3A = arith.addi %mul3A_0, %arg0 : i32
    "tpu.region"() ({
      %run_scoped3A = tpu.sem_alloc : memref<!tpu.dma_semaphore, #tpu.memory_space<semaphore_mem>>
      tpu.enqueue_dma source(%arg12 : memref<128xf32, #tpu.memory_space<hbm>>) target(%arg26 : memref<128xf32, #tpu.memory_space<vmem>>) target_semaphore(%run_scoped3A : memref<!tpu.dma_semaphore, #tpu.memory_space<semaphore_mem>>)
      tpu.wait_dma2 semaphore(%run_scoped3A : memref<!tpu.dma_semaphore, #tpu.memory_space<semaphore_mem>>) src(%arg12 : memref<128xf32, #tpu.memory_space<hbm>>) dst(%arg26 : memref<128xf32, #tpu.memory_space<vmem>>)
      tpu.yield
    }) : () -> ()
    "tpu.region"() ({
      %run_scoped3A = tpu.sem_alloc : memref<!tpu.dma_semaphore, #tpu.memory_space<semaphore_mem>>
      tpu.enqueue_dma source(%arg13 : memref<128xf32, #tpu.memory_space<hbm>>) target(%arg27 : memref<128xf32, #tpu.memory_space<vmem>>) target_semaphore(%run_scoped3A : memref<!tpu.dma_semaphore, #tpu.memory_space<semaphore_mem>>)
      tpu.wait_dma2 semaphore(%run_scoped3A : memref<!tpu.dma_semaphore, #tpu.memory_space<semaphore_mem>>) src(%arg13 : memref<128xf32, #tpu.memory_space<hbm>>) dst(%arg27 : memref<128xf32, #tpu.memory_space<vmem>>)
      tpu.yield
    }) : () -> ()
    %get3A = arith.constant 0 : index
    %get3A_1 = tpu.vector_load %arg26[%get3A] {strides = array<i32>} : memref<128xf32, #tpu.memory_space<vmem>>, vector<16xf32>,
    %get3A_2 = arith.constant 16 : index
    %get3A_3 = tpu.vector_load %arg26[%get3A_2] {strides = array<i32>} : memref<128xf32, #tpu.memory_space<vmem>>, vector<16xf32>,
    %get3A_4 = arith.constant 32 : index
    %get3A_5 = tpu.vector_load %arg26[%get3A_4] {strides = array<i32>} : memref<128xf32, #tpu.memory_space<vmem>>, vector<16xf32>,
    %get3A_6 = arith.constant 48 : index
    %get3A_7 = tpu.vector_load %arg26[%get3A_6] {strides = array<i32>} : memref<128xf32, #tpu.memory_space<vmem>>, vector<16xf32>,
    %get3A_8 = arith.constant 64 : index
    %get3A_9 = tpu.vector_load %arg26[%get3A_8] {strides = array<i32>} : memref<128xf32, #tpu.memory_space<vmem>>, vector<16xf32>,
    %get3A_10 = arith.constant 80 : index
    %get3A_11 = tpu.vector_load %arg26[%get3A_10] {strides = array<i32>} : memref<128xf32, #tpu.memory_space<vmem>>, vector<16xf32>,
    %get3A_12 = arith.constant 96 : index
    %get3A_13 = tpu.vector_load %arg26[%get3A_12] {strides = array<i32>} : memref<128xf32, #tpu.memory_space<vmem>>, vector<16xf32>,
    %get3A_14 = arith.constant 112 : index
    %get3A_15 = tpu.vector_load %arg26[%get3A_14] {strides = array<i32>} : memref<128xf32, #tpu.memory_space<vmem>>, vector<16xf32>,
    %get3A_16 = arith.constant 0 : index
    %get3A_17 = tpu.vector_load %arg27[%get3A_16] {strides = array<i32>} : memref<128xf32, #tpu.memory_space<vmem>>, vector<16xf32>,
    %get3A_18 = arith.constant 16 : index
    %get3A_19 = tpu.vector_load %arg27[%get3A_18] {strides = array<i32>} : memref<128xf32, #tpu.memory_space<vmem>>, vector<16xf32>,
    %get3A_20 = arith.constant 32 : index
    %get3A_21 = tpu.vector_load %arg27[%get3A_20] {strides = array<i32>} : memref<128xf32, #tpu.memory_space<vmem>>, vector<16xf32>,
    %get3A_22 = arith.constant 48 : index
    %get3A_23 = tpu.vector_load %arg27[%get3A_22] {strides = array<i32>} : memref<128xf32, #tpu.memory_space<vmem>>, vector<16xf32>,
    %get3A_24 = arith.constant 64 : index
    %get3A_25 = tpu.vector_load %arg27[%get3A_24] {strides = array<i32>} : memref<128xf32, #tpu.memory_space<vmem>>, vector<16xf32>,
    %get3A_26 = arith.constant 80 : index
    %get3A_27 = tpu.vector_load %arg27[%get3A_26] {strides = array<i32>} : memref<128xf32, #tpu.memory_space<vmem>>, vector<16xf32>,
    %get3A_28 = arith.constant 96 : index
    %get3A_29 = tpu.vector_load %arg27[%get3A_28] {strides = array<i32>} : memref<128xf32, #tpu.memory_space<vmem>>, vector<16xf32>,
    %get3A_30 = arith.constant 112 : index
    %get3A_31 = tpu.vector_load %arg27[%get3A_30] {strides = array<i32>} : memref<128xf32, #tpu.memory_space<vmem>>, vector<16xf32>,
    %scan3A = arith.constant 0 : i32
    %scan3A_32 = arith.constant 0 : i32
    %scan3A_33 = arith.constant 50 : i32
    %scan3A_34 = arith.addi %scan3A_32, %scan3A_33 : i32
    %scan3A_35 = arith.constant 1 : i32
    scf.for %scan3A_37 = %scan3A_32 to %scan3A_34 step %scan3A_35  : i32 {
      %mul3A_38 = arith.constant 6400 : i32
      %mul3A_39 = arith.muli %add3A, %mul3A_38 : i32
      %mul3A_40 = arith.constant 128 : i32
      %mul3A_41 = arith.muli %scan3A_37, %mul3A_40 : i32
      %add3A_42 = arith.addi %mul3A_39, %mul3A_41 : i32
      "tpu.region"() ({
        %run_scoped3A = tpu.sem_alloc : memref<!tpu.dma_semaphore, #tpu.memory_space<semaphore_mem>>
        %dma_start3A_49 = tpu.memref_slice %arg2[%add3A_42] : memref<204800xi32, #tpu.memory_space<hbm>> -> memref<128xi32, #tpu.memory_space<hbm>>
        %dma_start3A_50 = tpu.memref_slice %arg2[%add3A_42] : memref<204800xi32, #tpu.memory_space<hbm>> -> memref<128xi32, #tpu.memory_space<hbm>>
        tpu.enqueue_dma source(%dma_start3A_50 : memref<128xi32, #tpu.memory_space<hbm>>) target(%arg15 : memref<128xi32, #tpu.memory_space<vmem>>) target_semaphore(%run_scoped3A : memref<!tpu.dma_semaphore, #tpu.memory_space<semaphore_mem>>)
        %dma_wait3A_51 = tpu.memref_slice %arg2[%add3A_42] : memref<204800xi32, #tpu.memory_space<hbm>> -> memref<128xi32, #tpu.memory_space<hbm>>
        %dma_wait3A_52 = tpu.memref_slice %arg2[%add3A_42] : memref<204800xi32, #tpu.memory_space<hbm>> -> memref<128xi32, #tpu.memory_space<hbm>>
        tpu.wait_dma2 semaphore(%run_scoped3A : memref<!tpu.dma_semaphore, #tpu.memory_space<semaphore_mem>>) src(%dma_wait3A_52 : memref<128xi32, #tpu.memory_space<hbm>>) dst(%arg15 : memref<128xi32, #tpu.memory_space<vmem>>)
        tpu.yield
      }) : () -> ()
      %dma_start3A = arith.constant 0 : i32
      %dma_start3A_43 = arith.constant 0 : i32
      %dma_start3A_44 = tpu.memref_slice %arg7[%dma_start3A, %dma_start3A_43] : memref<100000x128xf32, #tpu.memory_space<hbm>> -> memref<100000x128xf32, #tpu.memory_space<hbm>>
      tpu.enqueue_indirect_dma source(%dma_start3A_44 : memref<100000x128xf32, #tpu.memory_space<hbm>>) target(%arg20 : memref<128x128xf32, #tpu.memory_space<vmem>>) offsets(%arg15 : memref<128xi32, #tpu.memory_space<vmem>>) semaphore(%arg28 : memref<!tpu.dma_semaphore, #tpu.memory_space<semaphore_mem>>)
      %dma_wait3A = arith.constant 0 : i32
      %dma_wait3A_45 = arith.constant 0 : i32
      %dma_wait3A_46 = tpu.memref_slice %arg7[%dma_wait3A, %dma_wait3A_45] : memref<100000x128xf32, #tpu.memory_space<hbm>> -> memref<100000x128xf32, #tpu.memory_space<hbm>>
      tpu.wait_indirect_dma semaphore(%arg28 : memref<!tpu.dma_semaphore, #tpu.memory_space<semaphore_mem>>) src(%dma_wait3A_46 : memref<100000x128xf32, #tpu.memory_space<hbm>>) dst(%arg20 : memref<128x128xf32, #tpu.memory_space<vmem>>)
      %parallel_loop3A = arith.constant 0 : i32
      %parallel_loop3A_47 = arith.constant 0 : i32
      %parallel_loop3A_48 = arith.constant 1 : i32
      scf.for %parallel_loop3A_49 = %parallel_loop3A to %parallel_loop3A_47 step %parallel_loop3A_48  : i32 {
        %parallel_loop3A_50 = arith.index_cast %parallel_loop3A_49 : i32 to index
        %parallel_loop3A_51 = arith.constant 0 : index
        %parallel_loop3A_52 = tpu.vector_load %arg20[%parallel_loop3A_50, %parallel_loop3A_51] {strides = array<i32>} : memref<128x128xf32, #tpu.memory_space<vmem>>, vector<16xf32>,
        %parallel_loop3A_53 = arith.index_cast %parallel_loop3A_49 : i32 to index
        %parallel_loop3A_54 = arith.constant 0 : index
        %parallel_loop3A_55 = tpu.vector_load %arg21[%parallel_loop3A_53, %parallel_loop3A_54] {strides = array<i32>} : memref<128x128xf32, #tpu.memory_space<vmem>>, vector<16xf32>,
        %parallel_loop3A_56 = arith.addf %parallel_loop3A_52, %parallel_loop3A_55 : vector<16xf32>
        %parallel_loop3A_57 = arith.index_cast %parallel_loop3A_49 : i32 to index
        %parallel_loop3A_58 = arith.constant 0 : index
        %parallel_loop3A_59 = tpu.vector_load %arg22[%parallel_loop3A_57, %parallel_loop3A_58] {strides = array<i32>} : memref<128x128xf32, #tpu.memory_space<vmem>>, vector<16xf32>,
        %parallel_loop3A_60 = arith.addf %parallel_loop3A_56, %parallel_loop3A_59 : vector<16xf32>
        %parallel_loop3A_61 = arith.index_cast %parallel_loop3A_49 : i32 to index
        %parallel_loop3A_62 = arith.constant 0 : index
        %parallel_loop3A_63 = tpu.vector_load %arg23[%parallel_loop3A_61, %parallel_loop3A_62] {strides = array<i32>} : memref<128x128xf32, #tpu.memory_space<vmem>>, vector<16xf32>,
        %parallel_loop3A_64 = arith.addf %parallel_loop3A_60, %parallel_loop3A_63 : vector<16xf32>
        %parallel_loop3A_65 = arith.index_cast %parallel_loop3A_49 : i32 to index
        %parallel_loop3A_66 = arith.constant 0 : index
        %parallel_loop3A_67 = tpu.vector_load %arg24[%parallel_loop3A_65, %parallel_loop3A_66] {strides = array<i32>} : memref<128x128xf32, #tpu.memory_space<vmem>>, vector<16xf32>,
        %parallel_loop3A_68 = arith.addf %parallel_loop3A_64, %parallel_loop3A_67 : vector<16xf32>
        %parallel_loop3A_69 = arith.index_cast %parallel_loop3A_49 : i32 to index
        %parallel_loop3A_70 = arith.constant 16 : index
        %parallel_loop3A_71 = tpu.vector_load %arg20[%parallel_loop3A_69, %parallel_loop3A_70] {strides = array<i32>} : memref<128x128xf32, #tpu.memory_space<vmem>>, vector<16xf32>,
        %parallel_loop3A_72 = arith.index_cast %parallel_loop3A_49 : i32 to index
        %parallel_loop3A_73 = arith.constant 16 : index
        %parallel_loop3A_74 = tpu.vector_load %arg21[%parallel_loop3A_72, %parallel_loop3A_73] {strides = array<i32>} : memref<128x128xf32, #tpu.memory_space<vmem>>, vector<16xf32>,
        %parallel_loop3A_75 = arith.addf %parallel_loop3A_71, %parallel_loop3A_74 : vector<16xf32>
        %parallel_loop3A_76 = arith.index_cast %parallel_loop3A_49 : i32 to index
        %parallel_loop3A_77 = arith.constant 16 : index
        %parallel_loop3A_78 = tpu.vector_load %arg22[%parallel_loop3A_76, %parallel_loop3A_77] {strides = array<i32>} : memref<128x128xf32, #tpu.memory_space<vmem>>, vector<16xf32>,
        %parallel_loop3A_79 = arith.addf %parallel_loop3A_75, %parallel_loop3A_78 : vector<16xf32>
        %parallel_loop3A_80 = arith.index_cast %parallel_loop3A_49 : i32 to index
        %parallel_loop3A_81 = arith.constant 16 : index
        %parallel_loop3A_82 = tpu.vector_load %arg23[%parallel_loop3A_80, %parallel_loop3A_81] {strides = array<i32>} : memref<128x128xf32, #tpu.memory_space<vmem>>, vector<16xf32>,
        %parallel_loop3A_83 = arith.addf %parallel_loop3A_79, %parallel_loop3A_82 : vector<16xf32>
        %parallel_loop3A_84 = arith.index_cast %parallel_loop3A_49 : i32 to index
        %parallel_loop3A_85 = arith.constant 16 : index
        %parallel_loop3A_86 = tpu.vector_load %arg24[%parallel_loop3A_84, %parallel_loop3A_85] {strides = array<i32>} : memref<128x128xf32, #tpu.memory_space<vmem>>, vector<16xf32>,
        %parallel_loop3A_87 = arith.addf %parallel_loop3A_83, %parallel_loop3A_86 : vector<16xf32>
        %parallel_loop3A_88 = arith.index_cast %parallel_loop3A_49 : i32 to index
        %parallel_loop3A_89 = arith.constant 32 : index
        %parallel_loop3A_90 = tpu.vector_load %arg20[%parallel_loop3A_88, %parallel_loop3A_89] {strides = array<i32>} : memref<128x128xf32, #tpu.memory_space<vmem>>, vector<16xf32>,
        %parallel_loop3A_91 = arith.index_cast %parallel_loop3A_49 : i32 to index
        %parallel_loop3A_92 = arith.constant 32 : index
        %parallel_loop3A_93 = tpu.vector_load %arg21[%parallel_loop3A_91, %parallel_loop3A_92] {strides = array<i32>} : memref<128x128xf32, #tpu.memory_space<vmem>>, vector<16xf32>,
        %parallel_loop3A_94 = arith.addf %parallel_loop3A_90, %parallel_loop3A_93 : vector<16xf32>
        %parallel_loop3A_95 = arith.index_cast %parallel_loop3A_49 : i32 to index
        %parallel_loop3A_96 = arith.constant 32 : index
        %parallel_loop3A_97 = tpu.vector_load %arg22[%parallel_loop3A_95, %parallel_loop3A_96] {strides = array<i32>} : memref<128x128xf32, #tpu.memory_space<vmem>>, vector<16xf32>,
        %parallel_loop3A_98 = arith.addf %parallel_loop3A_94, %parallel_loop3A_97 : vector<16xf32>
        %parallel_loop3A_99 = arith.index_cast %parallel_loop3A_49 : i32 to index
        %parallel_loop3A_100 = arith.constant 32 : index
        %parallel_loop3A_101 = tpu.vector_load %arg23[%parallel_loop3A_99, %parallel_loop3A_100] {strides = array<i32>} : memref<128x128xf32, #tpu.memory_space<vmem>>, vector<16xf32>,
        %parallel_loop3A_102 = arith.addf %parallel_loop3A_98, %parallel_loop3A_101 : vector<16xf32>
        %parallel_loop3A_103 = arith.index_cast %parallel_loop3A_49 : i32 to index
        %parallel_loop3A_104 = arith.constant 32 : index
        %parallel_loop3A_105 = tpu.vector_load %arg24[%parallel_loop3A_103, %parallel_loop3A_104] {strides = array<i32>} : memref<128x128xf32, #tpu.memory_space<vmem>>, vector<16xf32>,
        %parallel_loop3A_106 = arith.addf %parallel_loop3A_102, %parallel_loop3A_105 : vector<16xf32>
        %parallel_loop3A_107 = arith.index_cast %parallel_loop3A_49 : i32 to index
        %parallel_loop3A_108 = arith.constant 48 : index
        %parallel_loop3A_109 = tpu.vector_load %arg20[%parallel_loop3A_107, %parallel_loop3A_108] {strides = array<i32>} : memref<128x128xf32, #tpu.memory_space<vmem>>, vector<16xf32>,
        %parallel_loop3A_110 = arith.index_cast %parallel_loop3A_49 : i32 to index
        %parallel_loop3A_111 = arith.constant 48 : index
        %parallel_loop3A_112 = tpu.vector_load %arg21[%parallel_loop3A_110, %parallel_loop3A_111] {strides = array<i32>} : memref<128x128xf32, #tpu.memory_space<vmem>>, vector<16xf32>,
        %parallel_loop3A_113 = arith.addf %parallel_loop3A_109, %parallel_loop3A_112 : vector<16xf32>
        %parallel_loop3A_114 = arith.index_cast %parallel_loop3A_49 : i32 to index
        %parallel_loop3A_115 = arith.constant 48 : index
        %parallel_loop3A_116 = tpu.vector_load %arg22[%parallel_loop3A_114, %parallel_loop3A_115] {strides = array<i32>} : memref<128x128xf32, #tpu.memory_space<vmem>>, vector<16xf32>,
        %parallel_loop3A_117 = arith.addf %parallel_loop3A_113, %parallel_loop3A_116 : vector<16xf32>
        %parallel_loop3A_118 = arith.index_cast %parallel_loop3A_49 : i32 to index
        %parallel_loop3A_119 = arith.constant 48 : index
        %parallel_loop3A_120 = tpu.vector_load %arg23[%parallel_loop3A_118, %parallel_loop3A_119] {strides = array<i32>} : memref<128x128xf32, #tpu.memory_space<vmem>>, vector<16xf32>,
        %parallel_loop3A_121 = arith.addf %parallel_loop3A_117, %parallel_loop3A_120 : vector<16xf32>
        %parallel_loop3A_122 = arith.index_cast %parallel_loop3A_49 : i32 to index
        %parallel_loop3A_123 = arith.constant 48 : index
        %parallel_loop3A_124 = tpu.vector_load %arg24[%parallel_loop3A_122, %parallel_loop3A_123] {strides = array<i32>} : memref<128x128xf32, #tpu.memory_space<vmem>>, vector<16xf32>,
        %parallel_loop3A_125 = arith.addf %parallel_loop3A_121, %parallel_loop3A_124 : vector<16xf32>
        %parallel_loop3A_126 = arith.index_cast %parallel_loop3A_49 : i32 to index
        %parallel_loop3A_127 = arith.constant 64 : index
        %parallel_loop3A_128 = tpu.vector_load %arg20[%parallel_loop3A_126, %parallel_loop3A_127] {strides = array<i32>} : memref<128x128xf32, #tpu.memory_space<vmem>>, vector<16xf32>,
        %parallel_loop3A_129 = arith.index_cast %parallel_loop3A_49 : i32 to index
        %parallel_loop3A_130 = arith.constant 64 : index
        %parallel_loop3A_131 = tpu.vector_load %arg21[%parallel_loop3A_129, %parallel_loop3A_130] {strides = array<i32>} : memref<128x128xf32, #tpu.memory_space<vmem>>, vector<16xf32>,
        %parallel_loop3A_132 = arith.addf %parallel_loop3A_128, %parallel_loop3A_131 : vector<16xf32>
        %parallel_loop3A_133 = arith.index_cast %parallel_loop3A_49 : i32 to index
        %parallel_loop3A_134 = arith.constant 64 : index
        %parallel_loop3A_135 = tpu.vector_load %arg22[%parallel_loop3A_133, %parallel_loop3A_134] {strides = array<i32>} : memref<128x128xf32, #tpu.memory_space<vmem>>, vector<16xf32>,
        %parallel_loop3A_136 = arith.addf %parallel_loop3A_132, %parallel_loop3A_135 : vector<16xf32>
        %parallel_loop3A_137 = arith.index_cast %parallel_loop3A_49 : i32 to index
        %parallel_loop3A_138 = arith.constant 64 : index
        %parallel_loop3A_139 = tpu.vector_load %arg23[%parallel_loop3A_137, %parallel_loop3A_138] {strides = array<i32>} : memref<128x128xf32, #tpu.memory_space<vmem>>, vector<16xf32>,
        %parallel_loop3A_140 = arith.addf %parallel_loop3A_136, %parallel_loop3A_139 : vector<16xf32>
        %parallel_loop3A_141 = arith.index_cast %parallel_loop3A_49 : i32 to index
        %parallel_loop3A_142 = arith.constant 64 : index
        %parallel_loop3A_143 = tpu.vector_load %arg24[%parallel_loop3A_141, %parallel_loop3A_142] {strides = array<i32>} : memref<128x128xf32, #tpu.memory_space<vmem>>, vector<16xf32>,
        %parallel_loop3A_144 = arith.addf %parallel_loop3A_140, %parallel_loop3A_143 : vector<16xf32>
        %parallel_loop3A_145 = arith.index_cast %parallel_loop3A_49 : i32 to index
        %parallel_loop3A_146 = arith.constant 80 : index
        %parallel_loop3A_147 = tpu.vector_load %arg20[%parallel_loop3A_145, %parallel_loop3A_146] {strides = array<i32>} : memref<128x128xf32, #tpu.memory_space<vmem>>, vector<16xf32>,
        %parallel_loop3A_148 = arith.index_cast %parallel_loop3A_49 : i32 to index
        %parallel_loop3A_149 = arith.constant 80 : index
        %parallel_loop3A_150 = tpu.vector_load %arg21[%parallel_loop3A_148, %parallel_loop3A_149] {strides = array<i32>} : memref<128x128xf32, #tpu.memory_space<vmem>>, vector<16xf32>,
        %parallel_loop3A_151 = arith.addf %parallel_loop3A_147, %parallel_loop3A_150 : vector<16xf32>
        %parallel_loop3A_152 = arith.index_cast %parallel_loop3A_49 : i32 to index
        %parallel_loop3A_153 = arith.constant 80 : index
        %parallel_loop3A_154 = tpu.vector_load %arg22[%parallel_loop3A_152, %parallel_loop3A_153] {strides = array<i32>} : memref<128x128xf32, #tpu.memory_space<vmem>>, vector<16xf32>,
        %parallel_loop3A_155 = arith.addf %parallel_loop3A_151, %parallel_loop3A_154 : vector<16xf32>
        %parallel_loop3A_156 = arith.index_cast %parallel_loop3A_49 : i32 to index
        %parallel_loop3A_157 = arith.constant 80 : index
        %parallel_loop3A_158 = tpu.vector_load %arg23[%parallel_loop3A_156, %parallel_loop3A_157] {strides = array<i32>} : memref<128x128xf32, #tpu.memory_space<vmem>>, vector<16xf32>,
        %parallel_loop3A_159 = arith.addf %parallel_loop3A_155, %parallel_loop3A_158 : vector<16xf32>
        %parallel_loop3A_160 = arith.index_cast %parallel_loop3A_49 : i32 to index
        %parallel_loop3A_161 = arith.constant 80 : index
        %parallel_loop3A_162 = tpu.vector_load %arg24[%parallel_loop3A_160, %parallel_loop3A_161] {strides = array<i32>} : memref<128x128xf32, #tpu.memory_space<vmem>>, vector<16xf32>,
        %parallel_loop3A_163 = arith.addf %parallel_loop3A_159, %parallel_loop3A_162 : vector<16xf32>
        %parallel_loop3A_164 = arith.index_cast %parallel_loop3A_49 : i32 to index
        %parallel_loop3A_165 = arith.constant 96 : index
        %parallel_loop3A_166 = tpu.vector_load %arg20[%parallel_loop3A_164, %parallel_loop3A_165] {strides = array<i32>} : memref<128x128xf32, #tpu.memory_space<vmem>>, vector<16xf32>,
        %parallel_loop3A_167 = arith.index_cast %parallel_loop3A_49 : i32 to index
        %parallel_loop3A_168 = arith.constant 96 : index
        %parallel_loop3A_169 = tpu.vector_load %arg21[%parallel_loop3A_167, %parallel_loop3A_168] {strides = array<i32>} : memref<128x128xf32, #tpu.memory_space<vmem>>, vector<16xf32>,
        %parallel_loop3A_170 = arith.addf %parallel_loop3A_166, %parallel_loop3A_169 : vector<16xf32>
        %parallel_loop3A_171 = arith.index_cast %parallel_loop3A_49 : i32 to index
        %parallel_loop3A_172 = arith.constant 96 : index
        %parallel_loop3A_173 = tpu.vector_load %arg22[%parallel_loop3A_171, %parallel_loop3A_172] {strides = array<i32>} : memref<128x128xf32, #tpu.memory_space<vmem>>, vector<16xf32>,
        %parallel_loop3A_174 = arith.addf %parallel_loop3A_170, %parallel_loop3A_173 : vector<16xf32>
        %parallel_loop3A_175 = arith.index_cast %parallel_loop3A_49 : i32 to index
        %parallel_loop3A_176 = arith.constant 96 : index
        %parallel_loop3A_177 = tpu.vector_load %arg23[%parallel_loop3A_175, %parallel_loop3A_176] {strides = array<i32>} : memref<128x128xf32, #tpu.memory_space<vmem>>, vector<16xf32>,
        %parallel_loop3A_178 = arith.addf %parallel_loop3A_174, %parallel_loop3A_177 : vector<16xf32>
        %parallel_loop3A_179 = arith.index_cast %parallel_loop3A_49 : i32 to index
        %parallel_loop3A_180 = arith.constant 96 : index
        %parallel_loop3A_181 = tpu.vector_load %arg24[%parallel_loop3A_179, %parallel_loop3A_180] {strides = array<i32>} : memref<128x128xf32, #tpu.memory_space<vmem>>, vector<16xf32>,
        %parallel_loop3A_182 = arith.addf %parallel_loop3A_178, %parallel_loop3A_181 : vector<16xf32>
        %parallel_loop3A_183 = arith.index_cast %parallel_loop3A_49 : i32 to index
        %parallel_loop3A_184 = arith.constant 112 : index
        %parallel_loop3A_185 = tpu.vector_load %arg20[%parallel_loop3A_183, %parallel_loop3A_184] {strides = array<i32>} : memref<128x128xf32, #tpu.memory_space<vmem>>, vector<16xf32>,
        %parallel_loop3A_186 = arith.index_cast %parallel_loop3A_49 : i32 to index
        %parallel_loop3A_187 = arith.constant 112 : index
        %parallel_loop3A_188 = tpu.vector_load %arg21[%parallel_loop3A_186, %parallel_loop3A_187] {strides = array<i32>} : memref<128x128xf32, #tpu.memory_space<vmem>>, vector<16xf32>,
        %parallel_loop3A_189 = arith.addf %parallel_loop3A_185, %parallel_loop3A_188 : vector<16xf32>
        %parallel_loop3A_190 = arith.index_cast %parallel_loop3A_49 : i32 to index
        %parallel_loop3A_191 = arith.constant 112 : index
        %parallel_loop3A_192 = tpu.vector_load %arg22[%parallel_loop3A_190, %parallel_loop3A_191] {strides = array<i32>} : memref<128x128xf32, #tpu.memory_space<vmem>>, vector<16xf32>,
        %parallel_loop3A_193 = arith.addf %parallel_loop3A_189, %parallel_loop3A_192 : vector<16xf32>
        %parallel_loop3A_194 = arith.index_cast %parallel_loop3A_49 : i32 to index
        %parallel_loop3A_195 = arith.constant 112 : index
        %parallel_loop3A_196 = tpu.vector_load %arg23[%parallel_loop3A_194, %parallel_loop3A_195] {strides = array<i32>} : memref<128x128xf32, #tpu.memory_space<vmem>>, vector<16xf32>,
        %parallel_loop3A_197 = arith.addf %parallel_loop3A_193, %parallel_loop3A_196 : vector<16xf32>
        %parallel_loop3A_198 = arith.index_cast %parallel_loop3A_49 : i32 to index
        %parallel_loop3A_199 = arith.constant 112 : index
        %parallel_loop3A_200 = tpu.vector_load %arg24[%parallel_loop3A_198, %parallel_loop3A_199] {strides = array<i32>} : memref<128x128xf32, #tpu.memory_space<vmem>>, vector<16xf32>,
        %parallel_loop3A_201 = arith.addf %parallel_loop3A_197, %parallel_loop3A_200 : vector<16xf32>
        %parallel_loop3A_202 = arith.addf %parallel_loop3A_68, %parallel_loop3A_87 : vector<16xf32>
        %parallel_loop3A_203 = arith.addf %parallel_loop3A_202, %parallel_loop3A_106 : vector<16xf32>
        %parallel_loop3A_204 = arith.addf %parallel_loop3A_203, %parallel_loop3A_125 : vector<16xf32>
        %parallel_loop3A_205 = arith.addf %parallel_loop3A_204, %parallel_loop3A_144 : vector<16xf32>
        %parallel_loop3A_206 = arith.addf %parallel_loop3A_205, %parallel_loop3A_163 : vector<16xf32>
        %parallel_loop3A_207 = arith.addf %parallel_loop3A_206, %parallel_loop3A_182 : vector<16xf32>
        %parallel_loop3A_208 = arith.addf %parallel_loop3A_207, %parallel_loop3A_201 : vector<16xf32>
        %parallel_loop3A_209 = arith.constant true
        %parallel_loop3A_210 = vector.broadcast %parallel_loop3A_209 : i1 to vector<16xi1>
        %parallel_loop3A_211 = tpu.scan <sum>, %parallel_loop3A_208 masked %parallel_loop3A_210 : vector<16xf32>, vector<16xi1> -> vector<16xf32>
        %parallel_loop3A_212 = vector.extract %parallel_loop3A_211[15] : f32 from vector<16xf32>
        %parallel_loop3A_213 = arith.constant 7.812500e-03 : f32
        %parallel_loop3A_214 = arith.mulf %parallel_loop3A_212, %parallel_loop3A_213 : f32
        %parallel_loop3A_215 = vector.broadcast %parallel_loop3A_214 : f32 to vector<16xf32>
        %parallel_loop3A_216 = arith.subf %parallel_loop3A_68, %parallel_loop3A_215 : vector<16xf32>
        %parallel_loop3A_217 = arith.subf %parallel_loop3A_87, %parallel_loop3A_215 : vector<16xf32>
        %parallel_loop3A_218 = arith.subf %parallel_loop3A_106, %parallel_loop3A_215 : vector<16xf32>
        %parallel_loop3A_219 = arith.subf %parallel_loop3A_125, %parallel_loop3A_215 : vector<16xf32>
        %parallel_loop3A_220 = arith.subf %parallel_loop3A_144, %parallel_loop3A_215 : vector<16xf32>
        %parallel_loop3A_221 = arith.subf %parallel_loop3A_163, %parallel_loop3A_215 : vector<16xf32>
        %parallel_loop3A_222 = arith.subf %parallel_loop3A_182, %parallel_loop3A_215 : vector<16xf32>
        %parallel_loop3A_223 = arith.subf %parallel_loop3A_201, %parallel_loop3A_215 : vector<16xf32>
        %parallel_loop3A_224 = arith.mulf %parallel_loop3A_216, %parallel_loop3A_216 : vector<16xf32>
        %parallel_loop3A_225 = arith.mulf %parallel_loop3A_217, %parallel_loop3A_217 : vector<16xf32>
        %parallel_loop3A_226 = arith.addf %parallel_loop3A_224, %parallel_loop3A_225 : vector<16xf32>
        %parallel_loop3A_227 = arith.mulf %parallel_loop3A_218, %parallel_loop3A_218 : vector<16xf32>
        %parallel_loop3A_228 = arith.addf %parallel_loop3A_226, %parallel_loop3A_227 : vector<16xf32>
        %parallel_loop3A_229 = arith.mulf %parallel_loop3A_219, %parallel_loop3A_219 : vector<16xf32>
        %parallel_loop3A_230 = arith.addf %parallel_loop3A_228, %parallel_loop3A_229 : vector<16xf32>
        %parallel_loop3A_231 = arith.mulf %parallel_loop3A_220, %parallel_loop3A_220 : vector<16xf32>
        %parallel_loop3A_232 = arith.addf %parallel_loop3A_230, %parallel_loop3A_231 : vector<16xf32>
        %parallel_loop3A_233 = arith.mulf %parallel_loop3A_221, %parallel_loop3A_221 : vector<16xf32>
        %parallel_loop3A_234 = arith.addf %parallel_loop3A_232, %parallel_loop3A_233 : vector<16xf32>
        %parallel_loop3A_235 = arith.mulf %parallel_loop3A_222, %parallel_loop3A_222 : vector<16xf32>
        %parallel_loop3A_236 = arith.addf %parallel_loop3A_234, %parallel_loop3A_235 : vector<16xf32>
        %parallel_loop3A_237 = arith.mulf %parallel_loop3A_223, %parallel_loop3A_223 : vector<16xf32>
        %parallel_loop3A_238 = arith.addf %parallel_loop3A_236, %parallel_loop3A_237 : vector<16xf32>
        %parallel_loop3A_239 = arith.constant true
        %parallel_loop3A_240 = vector.broadcast %parallel_loop3A_239 : i1 to vector<16xi1>
        %parallel_loop3A_241 = tpu.scan <sum>, %parallel_loop3A_238 masked %parallel_loop3A_240 : vector<16xf32>, vector<16xi1> -> vector<16xf32>
        %parallel_loop3A_242 = vector.extract %parallel_loop3A_241[15] : f32 from vector<16xf32>
        %parallel_loop3A_243 = arith.constant 7.812500e-03 : f32
        %parallel_loop3A_244 = arith.mulf %parallel_loop3A_242, %parallel_loop3A_243 : f32
        %parallel_loop3A_245 = arith.constant 9.99999996E-13 : f32
        %parallel_loop3A_246 = arith.addf %parallel_loop3A_244, %parallel_loop3A_245 : f32
        %parallel_loop3A_247 = vector.broadcast %parallel_loop3A_246 : f32 to vector<16xf32>
        %parallel_loop3A_248 = tpu.bitcast %parallel_loop3A_247 : vector<16xf32> -> vector<16xi32>
        %parallel_loop3A_249 = arith.constant 1 : i32
        %parallel_loop3A_250 = vector.broadcast %parallel_loop3A_249 : i32 to vector<16xi32>
        %parallel_loop3A_251 = arith.shrsi %parallel_loop3A_248, %parallel_loop3A_250 : vector<16xi32>
        %parallel_loop3A_252 = arith.constant 1597463007 : i32
        %parallel_loop3A_253 = vector.broadcast %parallel_loop3A_252 : i32 to vector<16xi32>
        %parallel_loop3A_254 = arith.subi %parallel_loop3A_253, %parallel_loop3A_251 : vector<16xi32>
        %parallel_loop3A_255 = tpu.bitcast %parallel_loop3A_254 : vector<16xi32> -> vector<16xf32>
        %parallel_loop3A_256 = arith.constant 5.000000e-01 : f32
        %parallel_loop3A_257 = vector.broadcast %parallel_loop3A_256 : f32 to vector<16xf32>
        %parallel_loop3A_258 = arith.mulf %parallel_loop3A_257, %parallel_loop3A_247 : vector<16xf32>
        %parallel_loop3A_259 = arith.mulf %parallel_loop3A_258, %parallel_loop3A_255 : vector<16xf32>
        %parallel_loop3A_260 = arith.mulf %parallel_loop3A_259, %parallel_loop3A_255 : vector<16xf32>
        %parallel_loop3A_261 = arith.constant 1.500000e+00 : f32
        %parallel_loop3A_262 = vector.broadcast %parallel_loop3A_261 : f32 to vector<16xf32>
        %parallel_loop3A_263 = arith.subf %parallel_loop3A_262, %parallel_loop3A_260 : vector<16xf32>
        %parallel_loop3A_264 = arith.mulf %parallel_loop3A_255, %parallel_loop3A_263 : vector<16xf32>
        %parallel_loop3A_265 = arith.constant 5.000000e-01 : f32
        %parallel_loop3A_266 = vector.broadcast %parallel_loop3A_265 : f32 to vector<16xf32>
        %parallel_loop3A_267 = arith.mulf %parallel_loop3A_266, %parallel_loop3A_247 : vector<16xf32>
        %parallel_loop3A_268 = arith.mulf %parallel_loop3A_267, %parallel_loop3A_264 : vector<16xf32>
        %parallel_loop3A_269 = arith.mulf %parallel_loop3A_268, %parallel_loop3A_264 : vector<16xf32>
        %parallel_loop3A_270 = arith.constant 1.500000e+00 : f32
        %parallel_loop3A_271 = vector.broadcast %parallel_loop3A_270 : f32 to vector<16xf32>
        %parallel_loop3A_272 = arith.subf %parallel_loop3A_271, %parallel_loop3A_269 : vector<16xf32>
        %parallel_loop3A_273 = arith.mulf %parallel_loop3A_264, %parallel_loop3A_272 : vector<16xf32>
        %parallel_loop3A_274 = arith.constant 5.000000e-01 : f32
        %parallel_loop3A_275 = vector.broadcast %parallel_loop3A_274 : f32 to vector<16xf32>
        %parallel_loop3A_276 = arith.mulf %parallel_loop3A_275, %parallel_loop3A_247 : vector<16xf32>
        %parallel_loop3A_277 = arith.mulf %parallel_loop3A_276, %parallel_loop3A_273 : vector<16xf32>
        %parallel_loop3A_278 = arith.mulf %parallel_loop3A_277, %parallel_loop3A_273 : vector<16xf32>
        %parallel_loop3A_279 = arith.constant 1.500000e+00 : f32
        %parallel_loop3A_280 = vector.broadcast %parallel_loop3A_279 : f32 to vector<16xf32>
        %parallel_loop3A_281 = arith.subf %parallel_loop3A_280, %parallel_loop3A_278 : vector<16xf32>
        %parallel_loop3A_282 = arith.mulf %parallel_loop3A_273, %parallel_loop3A_281 : vector<16xf32>
        %parallel_loop3A_283 = arith.mulf %parallel_loop3A_216, %parallel_loop3A_282 : vector<16xf32>
        %parallel_loop3A_284 = arith.mulf %parallel_loop3A_283, %get3A_1 : vector<16xf32>
        %parallel_loop3A_285 = arith.addf %parallel_loop3A_284, %get3A_17 : vector<16xf32>
        %parallel_loop3A_286 = arith.index_cast %parallel_loop3A_49 : i32 to index
        %parallel_loop3A_287 = arith.constant 0 : index
        %parallel_loop3A_288 = tpu.vector_load %arg25[%parallel_loop3A_286, %parallel_loop3A_287] {strides = array<i32>} : memref<128x128xf32, #tpu.memory_space<vmem>>, vector<16xf32>,
        tpu.vector_store %arg25[%parallel_loop3A_286, %parallel_loop3A_287], %parallel_loop3A_285 {strides = array<i32>} : memref<128x128xf32, #tpu.memory_space<vmem>>, vector<16xf32>,
        %parallel_loop3A_289 = arith.mulf %parallel_loop3A_217, %parallel_loop3A_282 : vector<16xf32>
        %parallel_loop3A_290 = arith.mulf %parallel_loop3A_289, %get3A_3 : vector<16xf32>
        %parallel_loop3A_291 = arith.addf %parallel_loop3A_290, %get3A_19 : vector<16xf32>
        %parallel_loop3A_292 = arith.index_cast %parallel_loop3A_49 : i32 to index
        %parallel_loop3A_293 = arith.constant 16 : index
        %parallel_loop3A_294 = tpu.vector_load %arg25[%parallel_loop3A_292, %parallel_loop3A_293] {strides = array<i32>} : memref<128x128xf32, #tpu.memory_space<vmem>>, vector<16xf32>,
        tpu.vector_store %arg25[%parallel_loop3A_292, %parallel_loop3A_293], %parallel_loop3A_291 {strides = array<i32>} : memref<128x128xf32, #tpu.memory_space<vmem>>, vector<16xf32>,
        %parallel_loop3A_295 = arith.mulf %parallel_loop3A_218, %parallel_loop3A_282 : vector<16xf32>
        %parallel_loop3A_296 = arith.mulf %parallel_loop3A_295, %get3A_5 : vector<16xf32>
        %parallel_loop3A_297 = arith.addf %parallel_loop3A_296, %get3A_21 : vector<16xf32>
        %parallel_loop3A_298 = arith.index_cast %parallel_loop3A_49 : i32 to index
        %parallel_loop3A_299 = arith.constant 32 : index
        %parallel_loop3A_300 = tpu.vector_load %arg25[%parallel_loop3A_298, %parallel_loop3A_299] {strides = array<i32>} : memref<128x128xf32, #tpu.memory_space<vmem>>, vector<16xf32>,
        tpu.vector_store %arg25[%parallel_loop3A_298, %parallel_loop3A_299], %parallel_loop3A_297 {strides = array<i32>} : memref<128x128xf32, #tpu.memory_space<vmem>>, vector<16xf32>,
        %parallel_loop3A_301 = arith.mulf %parallel_loop3A_219, %parallel_loop3A_282 : vector<16xf32>
        %parallel_loop3A_302 = arith.mulf %parallel_loop3A_301, %get3A_7 : vector<16xf32>
        %parallel_loop3A_303 = arith.addf %parallel_loop3A_302, %get3A_23 : vector<16xf32>
        %parallel_loop3A_304 = arith.index_cast %parallel_loop3A_49 : i32 to index
        %parallel_loop3A_305 = arith.constant 48 : index
        %parallel_loop3A_306 = tpu.vector_load %arg25[%parallel_loop3A_304, %parallel_loop3A_305] {strides = array<i32>} : memref<128x128xf32, #tpu.memory_space<vmem>>, vector<16xf32>,
        tpu.vector_store %arg25[%parallel_loop3A_304, %parallel_loop3A_305], %parallel_loop3A_303 {strides = array<i32>} : memref<128x128xf32, #tpu.memory_space<vmem>>, vector<16xf32>,
        %parallel_loop3A_307 = arith.mulf %parallel_loop3A_220, %parallel_loop3A_282 : vector<16xf32>
        %parallel_loop3A_308 = arith.mulf %parallel_loop3A_307, %get3A_9 : vector<16xf32>
        %parallel_loop3A_309 = arith.addf %parallel_loop3A_308, %get3A_25 : vector<16xf32>
        %parallel_loop3A_310 = arith.index_cast %parallel_loop3A_49 : i32 to index
        %parallel_loop3A_311 = arith.constant 64 : index
        %parallel_loop3A_312 = tpu.vector_load %arg25[%parallel_loop3A_310, %parallel_loop3A_311] {strides = array<i32>} : memref<128x128xf32, #tpu.memory_space<vmem>>, vector<16xf32>,
        tpu.vector_store %arg25[%parallel_loop3A_310, %parallel_loop3A_311], %parallel_loop3A_309 {strides = array<i32>} : memref<128x128xf32, #tpu.memory_space<vmem>>, vector<16xf32>,
        %parallel_loop3A_313 = arith.mulf %parallel_loop3A_221, %parallel_loop3A_282 : vector<16xf32>
        %parallel_loop3A_314 = arith.mulf %parallel_loop3A_313, %get3A_11 : vector<16xf32>
        %parallel_loop3A_315 = arith.addf %parallel_loop3A_314, %get3A_27 : vector<16xf32>
        %parallel_loop3A_316 = arith.index_cast %parallel_loop3A_49 : i32 to index
        %parallel_loop3A_317 = arith.constant 80 : index
        %parallel_loop3A_318 = tpu.vector_load %arg25[%parallel_loop3A_316, %parallel_loop3A_317] {strides = array<i32>} : memref<128x128xf32, #tpu.memory_space<vmem>>, vector<16xf32>,
        tpu.vector_store %arg25[%parallel_loop3A_316, %parallel_loop3A_317], %parallel_loop3A_315 {strides = array<i32>} : memref<128x128xf32, #tpu.memory_space<vmem>>, vector<16xf32>,
        %parallel_loop3A_319 = arith.mulf %parallel_loop3A_222, %parallel_loop3A_282 : vector<16xf32>
        %parallel_loop3A_320 = arith.mulf %parallel_loop3A_319, %get3A_13 : vector<16xf32>
        %parallel_loop3A_321 = arith.addf %parallel_loop3A_320, %get3A_29 : vector<16xf32>
        %parallel_loop3A_322 = arith.index_cast %parallel_loop3A_49 : i32 to index
        %parallel_loop3A_323 = arith.constant 96 : index
        %parallel_loop3A_324 = tpu.vector_load %arg25[%parallel_loop3A_322, %parallel_loop3A_323] {strides = array<i32>} : memref<128x128xf32, #tpu.memory_space<vmem>>, vector<16xf32>,
        tpu.vector_store %arg25[%parallel_loop3A_322, %parallel_loop3A_323], %parallel_loop3A_321 {strides = array<i32>} : memref<128x128xf32, #tpu.memory_space<vmem>>, vector<16xf32>,
        %parallel_loop3A_325 = arith.mulf %parallel_loop3A_223, %parallel_loop3A_282 : vector<16xf32>
        %parallel_loop3A_326 = arith.mulf %parallel_loop3A_325, %get3A_15 : vector<16xf32>
        %parallel_loop3A_327 = arith.addf %parallel_loop3A_326, %get3A_31 : vector<16xf32>
        %parallel_loop3A_328 = arith.index_cast %parallel_loop3A_49 : i32 to index
        %parallel_loop3A_329 = arith.constant 112 : index
        %parallel_loop3A_330 = tpu.vector_load %arg25[%parallel_loop3A_328, %parallel_loop3A_329] {strides = array<i32>} : memref<128x128xf32, #tpu.memory_space<vmem>>, vector<16xf32>,
        tpu.vector_store %arg25[%parallel_loop3A_328, %parallel_loop3A_329], %parallel_loop3A_327 {strides = array<i32>} : memref<128x128xf32, #tpu.memory_space<vmem>>, vector<16xf32>,
      } {sc.loop_unroll_factor = 4 : i64, sc.parallel_access}
      "tpu.region"() ({
        %run_scoped3A = tpu.sem_alloc : memref<!tpu.dma_semaphore, #tpu.memory_space<semaphore_mem>>
        %dma_start3A_49 = arith.constant 0 : i32
        %dma_start3A_50 = tpu.memref_slice %arg14[%add3A_42, %dma_start3A_49] : memref<204800x128xf32, #tpu.memory_space<hbm>> -> memref<128x128xf32, #tpu.memory_space<hbm>>
        %dma_start3A_51 = arith.constant 0 : i32
        %dma_start3A_52 = tpu.memref_slice %arg14[%add3A_42, %dma_start3A_51] : memref<204800x128xf32, #tpu.memory_space<hbm>> -> memref<128x128xf32, #tpu.memory_space<hbm>>
        tpu.enqueue_dma source(%arg20 : memref<128x128xf32, #tpu.memory_space<vmem>>) target(%dma_start3A_52 : memref<128x128xf32, #tpu.memory_space<hbm>>) target_semaphore(%run_scoped3A : memref<!tpu.dma_semaphore, #tpu.memory_space<semaphore_mem>>)
        %dma_wait3A_53 = arith.constant 0 : i32
        %dma_wait3A_54 = tpu.memref_slice %arg14[%add3A_42, %dma_wait3A_53] : memref<204800x128xf32, #tpu.memory_space<hbm>> -> memref<128x128xf32, #tpu.memory_space<hbm>>
        %dma_wait3A_55 = arith.constant 0 : i32
        %dma_wait3A_56 = tpu.memref_slice %arg14[%add3A_42, %dma_wait3A_55] : memref<204800x128xf32, #tpu.memory_space<hbm>> -> memref<128x128xf32, #tpu.memory_space<hbm>>
        tpu.wait_dma2 semaphore(%run_scoped3A : memref<!tpu.dma_semaphore, #tpu.memory_space<semaphore_mem>>) src(%arg20 : memref<128x128xf32, #tpu.memory_space<vmem>>) dst(%dma_wait3A_56 : memref<128x128xf32, #tpu.memory_space<hbm>>)
        tpu.yield
      }) : () -> ()
    }
    %scan3A_36 = arith.constant 50 : i32
    return
  }
}

</mosaic_0001>

<sc_bundles>
// kernel: kernel.3.cloned.1.call-start
scs
__scs_entry_jumppad:
0x0: {  	(pc) =	sbr.rel $0x88, $3  }
0x1: {  	(tag) =	ssettag $0x0;
	lr =	simm.s32 $0x1  }
0x2: {  	[smem:$0x3F95] =	sst lr;
	_ =	strace $0xD0000000  }
0x3: {  	_ = 	snop  }
0x4: {  	_ = 	snop  }
0x5: {  	_ = 	snop  }
0x6: {  	_ = 	snop  }
0x7: {  	_ = 	snop  }
__scs_overlays_trampoline_lowered:
0x8: {  	[smem:$0x3FA4] =	sst s0  }
0x9: {  	[smem:$0x3FA5] =	sst s1  }
0xa: {  	[smem:$0x3FA6] =	sst s2  }
0xb: {  	[smem:$0x3FA7] =	sst s3  }
0xc: {  	[smem:$0x3FA8] =	sst s4  }
0xd: {  	[smem:$0x3FA9] =	sst s5  }
0xe: {  	[smem:$0x3FAA] =	sst s6  }
0xf: {  	[smem:$0x3FAB] =	sst s7  }
0x10: {  	[smem:$0x3FAC] =	sst s8  }
0x11: {  	[smem:$0x3FAD] =	sst s9;
	s0 =	simm.s32 @!p0 $0x0  }
0x12: {  	s1 =	sld [smem:$0x3F93];
	s0 =	simm.s32 @p0 $0x1  }
0x13: {  	[smem:$0x3FAE] =	sst s0;
	s0 =	simm.s32 @!p1 $0x0  }
0x14: {  	s2 =	sld [smem:$0x3F92];
	s0 =	simm.s32 @p1 $0x1  }
0x15: {  	[smem:$0x3FAF] =	sst s0;
	s0 =	simm.s32 @!p2 $0x0  }
0x16: {  	s3 =	sld [smem:$0x3FDB];
	s0 =	simm.s32 @p2 $0x1  }
0x17: {  	s4 =	simm.s32 $0x1BF5;
	[smem:$0x3FB1] =	sst s0  }
0x18: {  	s0 =	sld [smem:$0x3F94];
	_ =	swait.ge [sflag:s4], $0x0  }
0x19: {  	s7 =	sld [smem:$0x3F95]  }
0x1a: {  	s8 =	sadd.s32 $0xFFFFE003, lr  }
0x1b: {  	s9 =	sadd.s32 $0xFFFFFEF7, lr;
	s5 =	simm.s32 $0xFFFFFFFF;
	p2 =	slt.u32 s8, $0xFFFFF086  }
0x1c: {  	p1 =	slt.u32 s9, $0xF7A;
	s5 =	simm.s32 @!p2 $0x0  }
0x1d: {  	s5 =	simm.s32 @p1 $0x1;
	p0 =	seq.s32 s7, s2  }
0x1e: {  	s7 =	smul.u32 @!p0 $0xF7A, s2;
	p2 =	seq.s32 @!p0 s5, $0x0  }
0x1f: {  	s9 =	smul.u32 $0xF7A, s1;
	s8 =	simm.s32 @!p0 $0x1BF5;
	p2 =	por !p2, p0  }
0x20: {  	[sflag:s8] =	ssyncset.s32 @!p0 $0xFFFFF086;
	s6 =	sadd.s32 @!p0 s3, s7;
	s7 =	simm.s32 @!p0 $0x108  }
0x21: {  	s3 =	sadd.s32 s3, s9;
	s6 =	sadd.s32 @!p0 $0x88, s6;
	s7 =	simm.s32 @p2 $0x1082  }
0x22: {  	[simem:s7], [sflag:s8] =	dma.local @!p0 [hbm:s6], $0xF7A  }
0x23: {  	s9 =	sor.u32 $0xD0000000, s2;
	s6 =	simm.s32 $0x108;
	_ =	swait.ge @!p0 [sflag:s8], $0x0  }
0x24: {  	s3 =	sadd.s32 $0x88, s3;
	s6 =	simm.s32 @!p1 $0x1082;
	[sflag:s4] =	ssyncset.s32 $0xFFFFF086  }
0x25: {  	[simem:s6], [sflag:s4] =	dma.local [hbm:s3], $0xF7A  }
0x26: {  	[smem:$0x3F95] =	sst s1;
	(tag) =	ssettag s2;
	_ =	strace s9  }
0x27: {  	s1 =	sld [smem:$0x3FA5]  }
0x28: {  	s2 =	sld [smem:$0x3FA6]  }
0x29: {  	s4 =	sld [smem:$0x3FA8]  }
0x2a: {  	p0 =	seq.s32 s5, $0x0;
	s5 =	sld [smem:$0x3FA9]  }
0x2b: {  	s6 =	sld [smem:$0x3FAA]  }
0x2c: {  	s7 =	sld [smem:$0x3FAB]  }
0x2d: {  	s3 =	simm.s32 $0x108;
	s8 =	sld [smem:$0x3FAC]  }
0x2e: {  	s3 =	simm.s32 @!p0 $0x1082;
	s9 =	sld [smem:$0x3FAD]  }
0x2f: {  	lr =	sadd.s32 s0, s3;
	s0 =	sld [smem:$0x3FA4]  }
0x30: {  	s3 =	sld [smem:$0x3FA7]  }
0x31: {  	[smem:$0x3FB0] =	sst s10  }
0x32: {  	s10 =	sld [smem:$0x3FAE];
	_ =	sdelay $0x3  }
0x33: {  	p0 =	seq.s32 s10, $0x1;
	s10 =	sld [smem:$0x3FB0];
	_ =	sdelay $0x3  }
0x34: {  	[smem:$0x3FB0] =	sst s10  }
0x35: {  	s10 =	sld [smem:$0x3FAF];
	_ =	sdelay $0x3  }
0x36: {  	p1 =	seq.s32 s10, $0x1;
	s10 =	sld [smem:$0x3FB0];
	_ =	sdelay $0x3  }
0x37: {  	[smem:$0x3FB0] =	sst s10  }
0x38: {  	s10 =	sld [smem:$0x3FB1]  }
0x39: {  	_ = 	snop;
	(pc) =	sbr.ind lr, $3  }
0x3a: {  	_ = 	snop  }
0x3b: {  	_ = 	snop  }
0x3c: {  	p2 =	seq.s32 s10, $0x1;
	s10 =	sld [smem:$0x3FB0]  }
0x3d: {  	_ =	shalt  }
0x3e: {  	_ =	shalt  }
0x3f: {  	_ =	shalt  }
0x40: {  	_ =	shalt  }
0x41: {  	_ =	shalt  }
0x42: {  	_ =	shalt  }
0x43: {  	_ =	shalt  }
0x44: {  	_ =	shalt  }
0x45: {  	_ =	shalt  }
0x46: {  	_ =	shalt  }
0x47: {  	_ =	shalt  }
0x48: {  	_ =	shalt  }
0x49: {  	_ =	shalt  }
0x4a: {  	_ =	shalt  }
0x4b: {  	_ =	shalt  }
0x4c: {  	_ =	shalt  }
0x4d: {  	_ =	shalt  }
0x4e: {  	_ =	shalt  }
0x4f: {  	_ =	shalt  }
0x50: {  	_ =	shalt  }
0x51: {  	_ =	shalt  }
0x52: {  	_ =	shalt  }
0x53: {  	_ =	shalt  }
0x54: {  	_ =	shalt  }
0x55: {  	_ =	shalt  }
0x56: {  	_ =	shalt  }
0x57: {  	_ =	shalt  }
0x58: {  	_ =	shalt  }
0x59: {  	_ =	shalt  }
0x5a: {  	_ =	shalt  }
0x5b: {  	_ =	shalt  }
0x5c: {  	_ =	shalt  }
0x5d: {  	_ =	shalt  }
0x5e: {  	_ =	shalt  }
0x5f: {  	_ =	shalt  }
0x60: {  	_ =	shalt  }
0x61: {  	_ =	shalt  }
0x62: {  	_ =	shalt  }
0x63: {  	_ =	shalt  }
0x64: {  	_ =	shalt  }
0x65: {  	_ =	shalt  }
0x66: {  	_ =	shalt  }
0x67: {  	_ =	shalt  }
0x68: {  	_ =	shalt  }
0x69: {  	_ =	shalt  }
0x6a: {  	_ =	shalt  }
0x6b: {  	_ =	shalt  }
0x6c: {  	_ =	shalt  }
0x6d: {  	_ =	shalt  }
0x6e: {  	_ =	shalt  }
0x6f: {  	_ =	shalt  }
0x70: {  	_ =	shalt  }
0x71: {  	_ =	shalt  }
0x72: {  	_ =	shalt  }
0x73: {  	_ =	shalt  }
0x74: {  	_ =	shalt  }
0x75: {  	_ =	shalt  }
0x76: {  	_ =	shalt  }
0x77: {  	_ =	shalt  }
0x78: {  	_ =	shalt  }
0x79: {  	_ =	shalt  }
0x7a: {  	_ =	shalt  }
0x7b: {  	_ =	shalt  }
0x7c: {  	_ =	shalt  }
0x7d: {  	_ =	shalt  }
0x7e: {  	_ =	shalt  }
0x7f: {  	_ =	shalt  }
0x80: {  	_ =	shalt  }
0x81: {  	_ =	shalt  }
0x82: {  	_ =	shalt  }
0x83: {  	_ =	shalt  }
0x84: {  	_ =	shalt  }
0x85: {  	_ =	shalt  }
0x86: {  	_ =	shalt  }
0x87: {  	_ =	shalt  }
.Lfunc_end0:
.L_simem_size_0:
called_computation_lowered:
.L_overlay_start_0:
0x88: {  	s2 =	sld [smem:$0x3FD9]  }
0x89: {  	s3 =	sld [smem:$0x3FFE];
	_ =	sdelay $0x1  }
0x8a: {  	s1 =	srdreg.scid  }
0x8b: {  	s0 =	sand.u32 $0x1, s1  }
0x8c: {  	s17 =	sshll.u32 s0, $0xA;
	s2 =	sadd.s32 s3, s2  }
0x8d: {  	s2 =	sadd.s32 s2, s17  }
0x8e: {  	[smem:$0x3FBC] =	sst s2  }
0x8f: {  	_ = 	snop  }
0x90: {  	s2 =	sld [smem:$0x3FC4]  }
0x91: {  	s18 =	sld [smem:$0x3FBF]  }
0x92: {  	s4 =	sld [smem:$0x3FBE]  }
0x93: {  	s5 =	sld [smem:$0x3FD0];
	(tm) =	ssettm $0x1  }
0x94: {  	s6 =	sld [smem:$0x3FFB];
	_ =	sdelay $0x3  }
0x95: {  	_ =	strace s6  }
0x96: {  	s6 =	sld [smem:$0x3FFC];
	_ =	sdelay $0x3  }
0x97: {  	_ =	strace s6  }
0x98: {  	s6 =	sld [smem:$0x3FFD];
	_ =	sdelay $0x3  }
0x99: {  	_ =	strace s6  }
0x9a: {  	_ =	strace $0x8FFFFFFF  }
0x9b: {  	s19 =	sld [smem:$0x3FDB];
	_ =	sdelay $0x1  }
0x9c: {  	s7 =	simm.s32 $_scs_section_size  }
0x9d: {  	s8 =	simm.s32 $_size__tile_overlayer_lowered;
	s9 =	simm.s32 $_tile_overlayer_lowered  }
0x9e: {  	s22 =	simm.s32 $0x1BFF;
	s21 =	sshll.u32 s9, $0x1;
	s6 =	sadd.s32 s7, s19  }
0x9f: {  	s10 =	simm.s32 $0x0;
	s20 =	sshll.u32 s8, $0x1;
	s8 =	sadd.s32 s21, s6  }
0xa0: {  	[timem:s10], [sflag:s22] =	dma.local [hbm:s8], s20  }
0xa1: {  	_ =	swait.ge [sflag:s22], s20  }
0xa2: {  	s7 =	ssub.s32 $0x0, s20;
	[sflag:s22] =	ssyncset.done $0x0  }
0xa3: {  	[sflag:s22] =	ssyncadd.s32 s7;
	_ =	sdelay $0x1  }
0xa4: {  	s23 =	simm.s32 $0x1B8B  }
0xa5: {  	_ =	swait.ge [sflag:s23], $0x1  }
0xa6: {  	[sflag:s23] =	ssyncset.done $0x0  }
0xa7: {  	s25 =	simm.s32 $0x1B8E;
	s24 =	sld [smem:$0x3FFE];
	[sflag:s23] =	ssyncadd.s32 $0xFFFFFFFF  }
0xa8: {  	s26 =	simm.s32 $execute0_lowered;
	[smem:$0x3FD2] =	sst s25  }
0xa9: {  	s8 =	sshll.u32 s26, $0x1;
	_ =	strace $0x80000046;
	[dreg:$0x1] =	wrdreg $0xFFFFFFFF  }
0xaa: {  	s28 =	simm.s32 $_size_execute0_lowered;
	s6 =	sadd.s32 s6, s8;
	[dreg:$0x0] =	wrdreg $0x0  }
0xab: {  	s8 =	sshll.u32 s28, $0x1;
	[dreg:$0x2] =	wrdreg s6  }
0xac: {  	[dreg:$0x3] =	wrdreg s8  }
0xad: {  	[dreg:$0x4] =	wrdreg $0xC0  }
0xae: {  	_ =	task [dreg:s10], $0x5FFFF  }
0xaf: {  	[dreg:$0x1] =	wrdreg $0xFFFFFFFF  }
0xb0: {  	[dreg:$0x0] =	wrdreg $0x60  }
0xb1: {  	[dreg:$0x2] =	wrdreg s24  }
0xb2: {  	[dreg:$0x3] =	wrdreg s2  }
0xb3: {  	[dreg:$0x4] =	wrdreg s18  }
0xb4: {  	[dreg:$0x5] =	wrdreg s4  }
0xb5: {  	[dreg:$0x6] =	wrdreg s5  }
0xb6: {  	[dreg:$0x7] =	wrdreg $0x9  }
0xb7: {  	_ =	task.clear_ibuf [dreg:s10], $0x8FFFF;
	_ =	strace $0x90000046  }
0xb8: {  	s29 =	simm.s32 $0x9;
	_ =	strace $0x80000048  }
0xb9: {  	_ =	swait.ge [sflag:s29], $0x1  }
0xba: {  	[sflag:s29] =	ssyncadd.s32 $0xFFFFFFFF  }
0xbb: {  	_ =	strace $0x90000048  }
0xbc: {  	_ =	sfence  }
0xbd: {  	s30 =	sld [smem:$0x0];
	_ =	sdelay $0x2  }
0xbe: {  	s31 =	sshll.u32 s1, $0xD;
	s1 =	sshrl.u32 s1, $0x2  }
0xbf: {  	s3 =	sand.u32 $0x4000, s31;
	s1 =	sadd.s32 s1, s30  }
0xc0: {  	s0 =	sor.u32 s3, s0;
	s1 =	sshll.u32 s1, $0x11  }
0xc1: {  	s0 =	sor.u32 s1, s0  }
0xc2: {  	s0 =	sadd.s32 $0x8F2B, s0  }
0xc3: {  	[sflag:s0] =	ssyncadd.remote.s32 $0x1  }
0xc4: {  	_ =	sfence.sel $0xFFFF  }
0xc5: {  	[dreg:$0x0] =	wrdreg $0xFFFFFFFF;
	(pc) =	sbr.abs _section_cstart, $3  }
0xc6: {  	[dreg:$0x1] =	wrdreg $0xFFFFFFFF  }
0xc7: {  	_ =	task.clear_ibuf [dreg:s10], $0x2FFFF;
	_ =	strace $0x9FFFFFFF  }
0xc8: {  	(tm) =	ssettm $0x7FFFFFFF  }
0xc9: {  	_ =	shalt  }
tec
execute0_lowered:
.L_overlay_start_1:
0x0: {  	(tag) =	ssettag $0x1  }
0x1: {  	s6 =	rddreg [dreg:$0x0]  }
0x2: {  	s1 =	rddreg [dreg:$0x1]  }
0x3: {  	s2 =	rddreg [dreg:$0x2]  }
0x4: {  	s4 =	rddreg [dreg:$0x3]  }
0x5: {  	s7 =	rddreg [dreg:$0x4]  }
0x6: {  	s0 =	rddreg [dreg:$0x5]  }
0x7: {  	s8 =	srdreg.scid;
	s3 =	stileid.u32  }
0x8: {  	s5 =	simm.s32 $0x0;
	s13 =	simm.s32 $0x1;
	s9 =	smul.u32 $0x3200, s3  }
0x9: {  	s14 =	simm.s32 $0x0;
	s8 =	sand.u32 $0x1, s8;
	s11 =	smul.u32 $0x32000, s3  }
0xa: {  	[smem:$0x7FF] =	sst s5;
	s10 =	smul.u32 $0x1900, s8;
	s30 =	ssub.s32 $0x2, s8  }
0xb: {  	_ =	strace $0x80000047;
	s8 =	smul.u32 $0x19000, s8;
	s12 =	sshrl.u32 s30, $0x1  }
0xc: {  	s7 =	sadd.s32 s11, s7;
	s11 =	simm.s32 $0x4100;
	s9 =	sadd.s32 s10, s9  }
0xd: {  	s31 =	ssub.s32 s30, s12;
	s7 =	sadd.s32 s8, s7;
	s9 =	sshrl.u32 s9, $0x3  }
0xe: {  	s10 =	simm.s32 $0x2;
	s12 =	simm.s32 $0x80;
	s9 =	sadd.s32 s9, s6  }
0xf: {  	s6 =	smax.u32 s31, $0x1;
	s8 =	sadd.s32 $0x400, s9;
	s9 =	simm.s32 $0x4080  }
.LBB2_1:
0x10: {  	[tilespmem:s9], [sflag:$0x2] =	stream.linear.gather [hbm4b:s2+s5], $0x80, $0x38;
	[tilespmem:$0x4180] =	vst v63  }
0x11: {  	_ =	swait.ge [sflag:s10], $0x80  }
0x12: {  	[sflag:s10] =	ssyncset.done $0x0  }
0x13: {  	[sflag:s10] =	ssyncadd.s32 $0xFFFFFF80  }
0x14: {  	[tilespmem:s11], [sflag:$0x2] =	stream.linear.gather [hbm4b:s4+s5], $0x80, $0x38;
	[tilespmem:$0x4180] =	vst v63  }
0x15: {  	_ =	swait.ge [sflag:s10], $0x80  }
0x16: {  	[sflag:s10] =	ssyncset.done $0x0  }
0x17: {  	s15 =	sadd.s32 $0x0, s8;
	[sflag:s10] =	ssyncadd.s32 $0xFFFFFF80  }
0x18: {  	[tilespmem:s5], [sflag:$0x2] =	stream.linear.gather [hbm4b:s15+s5], $0x80, $0x38;
	[tilespmem:$0x4180] =	vst v63  }
0x19: {  	_ =	swait.ge [sflag:s10], $0x80  }
0x1a: {  	[sflag:s10] =	ssyncset.done $0x0  }
0x1b: {  	[sflag:s10] =	ssyncadd.s32 $0xFFFFFF80  }
0x1c: {  	[tilespmem:s12], [sflag:$0x1] =	stream.indirect.gather [hbm4b:s1+s12], $0x80, s5, s12, $0xb8;
	[tilespmem:$0x4180] =	vst v63  }
0x1d: {  	_ =	swait.ge [sflag:s13], $0x4000  }
0x1e: {  	[sflag:s13] =	ssyncset.done $0x0  }
0x1f: {  	[sflag:s13] =	ssyncadd.s32 $0xFFFFC000  }
0x20: {  	[hbm4b:s7+s5] =	stream.linear.scatter [tilespmem:s12], [sflag:$0x2], $0x4000, $0x38;
	[tilespmem:$0x4180] =	vst v63  }
0x21: {  	s16 =	simm.s32 $0x10;
	_ =	swait.ge [sflag:s10], $0x4000  }
0x22: {  	s17 =	simm.s32 $0x20;
	s15 =	sadd.s32 $0x800, s7;
	[sflag:s10] =	ssyncset.done $0x0  }
.LBB2_2:
0x23: {  	s18 =	sadd.s32 s16, s8  }
0x24: {  	[sflag:s10] =	ssyncadd.s32 $0xFFFFC000;
	s16 =	smov.u32 s17;
	s19 =	sadd.s32 $0x10, s17  }
0x25: {  	[tilespmem:s5], [sflag:$0x2] =	stream.linear.gather [hbm4b:s18+s5], $0x80, $0x38;
	[tilespmem:$0x4180] =	vst v63  }
0x26: {  	p0 =	sne.s32 s17, $0x310;
	_ =	swait.ge [sflag:s10], $0x80  }
0x27: {  	[sflag:s10] =	ssyncset.done $0x0  }
0x28: {  	[sflag:s10] =	ssyncadd.s32 $0xFFFFFF80  }
0x29: {  	[tilespmem:s12], [sflag:$0x1] =	stream.indirect.gather [hbm4b:s1+s12], $0x80, s5, s12, $0xb8;
	[tilespmem:$0x4180] =	vst v63  }
0x2a: {  	_ =	swait.ge [sflag:s13], $0x4000  }
.Ltmp0:
0x2b: {  	[sflag:s13] =	ssyncset.done $0x0;
	(pc) =	sbr.rel @p0 .LBB2_2-.Ltmp0, $4  }
0x2c: {  	[sflag:s13] =	ssyncadd.s32 $0xFFFFC000  }
0x2d: {  	[hbm4b:s15+s5] =	stream.linear.scatter [tilespmem:s12], [sflag:$0x2], $0x4000, $0x38;
	[tilespmem:$0x4180] =	vst v63  }
0x2e: {  	_ =	swait.ge [sflag:s10], $0x4000  }
0x2f: {  	s17 =	smov.u32 s19;
	s15 =	sadd.s32 $0x800, s15;
	[sflag:s10] =	ssyncset.done $0x0  }
0x30: {  	s16 =	sadd.s32 s16, s8;
	[sflag:s10] =	ssyncadd.s32 $0xFFFFC000  }
0x31: {  	[tilespmem:s5], [sflag:$0x2] =	stream.linear.gather [hbm4b:s16+s5], $0x80, $0x38;
	[tilespmem:$0x4180] =	vst v63  }
0x32: {  	_ =	swait.ge [sflag:s10], $0x80  }
0x33: {  	[sflag:s10] =	ssyncset.done $0x0  }
0x34: {  	[sflag:s10] =	ssyncadd.s32 $0xFFFFFF80  }
0x35: {  	[tilespmem:s12], [sflag:$0x1] =	stream.indirect.gather [hbm4b:s1+s12], $0x80, s5, s12, $0xb8;
	[tilespmem:$0x4180] =	vst v63  }
0x36: {  	s14 =	sadd.s32 $0x1, s14;
	_ =	swait.ge [sflag:s13], $0x4000  }
0x37: {  	p0 =	sne.s32 s14, s6;
	[sflag:s13] =	ssyncset.done $0x0  }
.Ltmp1:
0x38: {  	[sflag:s13] =	ssyncadd.s32 $0xFFFFC000;
	(pc) =	sbr.rel @p0 .LBB2_1-.Ltmp1, $4  }
0x39: {  	[hbm4b:s15+s5] =	stream.linear.scatter [tilespmem:s12], [sflag:$0x2], $0x4000, $0x38;
	[tilespmem:$0x4180] =	vst v63  }
0x3a: {  	_ =	swait.ge [sflag:s10], $0x4000  }
0x3b: {  	[sflag:s10] =	ssyncset.done $0x0  }
0x3c: {  	[sflag:s10] =	ssyncadd.s32 $0xFFFFC000  }
0x3d: {  	_ =	sfence.sel $0x180000  }
0x3e: {  	[bflag:$0x0] =	sbarrier.arrive $0xFFFF  }
0x3f: {  	p0 =	sne.s32 s3, $0x0;
	_ =	strace $0x90000047  }
0x40: {  	s0 =	sadd.s32 @!p0 $0x100000, s0;
	[bflag:$0x2] =	sbarrier.arrive $0xFFFF  }
0x41: {  	[sflag:s0] =	ssyncadd.tile.s32 @!p0 $0x1;
	_ =	shalt  }
.Lfunc_end2:
_tile_overlayer_lowered:
.L_overlay_start_2:
0x42: {  	(tag) =	ssettag $0x2  }
0x43: {  	s0 =	rddreg [dreg:$0x0];
	s2 =	stileid.u32  }
0x44: {  	s1 =	rddreg [dreg:$0x1];
	p0 =	sne.s32 s2, $0x0  }
0x45: {  	s3 =	rddreg [dreg:$0x2];
	[bflag:$0x3] =	sbarrier.arrive $0xFFFF;
	s2 =	simm.s32 @!p0 $0x1C02  }
0x46: {  	[timem:s3], [sflag:s2] =	dma.local @!p0 [hbm:s0], s1  }
0x47: {  	s0 =	simm.s32 @!p0 $0x2  }
0x48: {  	_ =	swait.ge @!p0 [sflag:s0], s1  }
0x49: {  	s1 =	ssub.s32 @!p0 $0x0, s1;
	[sflag:s0] =	ssyncset.done @!p0 $0x0  }
0x4a: {  	[sflag:s0] =	ssyncadd.s32 @!p0 s1  }
0x4b: {  	[bflag:$0x3] =	sbarrier.arrive $0xFFFF  }
0x4c: {  	_ =	shalt  }

</sc_bundles>
